<compile_context>
chip_gen: v7x
topology: tpu7x:2x2x1
jax: 0.10.2.dev20260603
libtpu: 0.0.44.dev20260713+nightly
codegen_flags: <defaults>
</compile_context>

<pallas_src>
import functools

import jax
import jax.numpy as jnp
from jax import lax
from jax.experimental import pallas as pl
from jax.experimental.pallas import tpu as pltpu
from jax.experimental.pallas import tpu_sc as plsc

NUM_FIELDS = 26
DIM = 16
LANES = 16
BCHUNK = 4096


def _make_lookup(batch: int, vocab: int, nw: int, nc: int):
    num_rows = NUM_FIELDS * DIM
    rows_per_tile = num_rows // nw
    n_chunks = batch // BCHUNK

    mesh = plsc.VectorSubcoreMesh(core_axis_name="c", subcore_axis_name="s")

    @functools.partial(
        pl.kernel,
        out_type=jax.ShapeDtypeStruct((num_rows, batch), jnp.float32),
        mesh=mesh,
        compiler_params=pltpu.CompilerParams(needs_layout_passes=False),
        scratch_types=[
            pltpu.VMEM((vocab,), jnp.float32),
            pltpu.VMEM((batch,), jnp.int32),
            pltpu.VMEM((BCHUNK,), jnp.float32),
            pltpu.VMEM((BCHUNK,), jnp.float32),
            pltpu.SemaphoreType.DMA,
        ],
    )
    def lookup_kernel(xt_hbm, tab_hbm, out_hbm, rowbuf, idxbuf,
                      outbuf0, outbuf1, wsem):
        wid = lax.axis_index("s") * nc + lax.axis_index("c")
        c0 = wid * rows_per_tile
        outbufs = [outbuf0, outbuf1]

        def drain_wb():
            pltpu.make_async_copy(out_hbm.at[0, pl.ds(0, BCHUNK)],
                                  outbuf0, wsem).wait()

        def row_body(r, fprev):
            c = c0 + r
            f = lax.shift_right_logical(c, 4)
            d = lax.bitwise_and(c, DIM - 1)
            pltpu.sync_copy(tab_hbm.at[f, d], rowbuf)

            @pl.when(f != fprev)
            def _():
                pltpu.sync_copy(xt_hbm.at[f], idxbuf)

            wbs = {}
            for k in range(n_chunks):
                buf = outbufs[k % 2]
                if k >= 2:
                    wbs[k - 2].wait()
                else:
                    @pl.when(r > 0)
                    def _():
                        drain_wb()

                @plsc.parallel_loop(0, BCHUNK // LANES, unroll=8)
                def _(j):
                    vals = plsc.load_gather(
                        rowbuf, [idxbuf[pl.ds(k * BCHUNK + j * LANES, LANES)]])
                    buf[pl.ds(j * LANES, LANES)] = vals

                wbs[k] = pltpu.async_copy(
                    buf, out_hbm.at[c, pl.ds(k * BCHUNK, BCHUNK)], wsem)
            return f
        lax.fori_loop(0, rows_per_tile, row_body, jnp.int32(-1))
        drain_wb()
        drain_wb()

    return lookup_kernel


def kernel(x, tables):
    batch, num_fields = x.shape
    _, vocab, dim = tables.shape

    info = plsc.get_sparse_core_info()
    nw = info.num_cores * info.num_subcores

    assert dim == DIM and num_fields == NUM_FIELDS
    assert (num_fields * dim) % nw == 0 and batch % BCHUNK == 0

    xt = jnp.swapaxes(x.astype(jnp.int32), 0, 1)
    tab_t = jnp.swapaxes(tables, 1, 2)

    out_t = _make_lookup(batch, vocab, nw, info.num_cores)(xt, tab_t)
    return jnp.swapaxes(out_t, 0, 1).reshape(batch, num_fields * dim)

# --- scband reference (transcript-rebuilt; emitter-appended) ---
"""Pipeline reference for scband-deep-features-embedding-4183298146366 (READ-ONLY COPY).

The authoritative reference and input builder live on the scoring server;
editing this copy changes nothing except your own understanding.
"""

import jax, jax.numpy as jnp
import numpy as np

NUM_FIELDS = 26
VOCAB = 100000
DIM = 16
BATCH = 16384


def setup_inputs(seed: int = 0) -> dict:
    key = jax.random.key(seed)
    kx, kt = jax.random.split(key)
    x = jax.random.randint(kx, (BATCH, NUM_FIELDS), 0, VOCAB)
    # per-field embedding tables (num_embeddings = range + 1), xavier-normal-ish init
    std = float(np.sqrt(2.0 / ((VOCAB + 1) + DIM)))
    tables = jax.random.normal(kt, (NUM_FIELDS, VOCAB + 1, DIM), dtype=jnp.float32) * std
    return {"x": x, "tables": tables}


def reference(x, tables):
    # For each field i: embedded_i = tables[i][x[:, i]] -> [B, DIM]
    # then concat along dim=1 -> [B, NUM_FIELDS * DIM]
    field_ids = jnp.arange(NUM_FIELDS)[None, :]  # [1, F]
    emb = tables[field_ids, x]  # [B, F, DIM] via per-field gather
    return emb.reshape(x.shape[0], NUM_FIELDS * DIM)

if __name__ == "__main__":
    import jax
    _d = setup_inputs()
    print(jax.jit(kernel)(*tuple(_d.values())))

</pallas_src>

<mosaic_0001>
#map = affine_map<(d0, d1) -> (0, 0)>
#map1 = affine_map<(d0, d1) -> (0, 0, 0)>
module attributes {stable_mosaic.version = 14 : i64} {
  func.func @lookup_kernel(%arg0: i32, %arg1: i32, %arg2: memref<26x16384xi32, #tpu.memory_space<hbm>>, %arg3: memref<26x16x100001xf32, #tpu.memory_space<hbm>>, %arg4: memref<416x16384xf32, #tpu.memory_space<hbm>>, %arg5: memref<100001xf32, #tpu.memory_space<vmem>>, %arg6: memref<16384xi32, #tpu.memory_space<vmem>>, %arg7: memref<4096xf32, #tpu.memory_space<vmem>>, %arg8: memref<4096xf32, #tpu.memory_space<vmem>>, %arg9: memref<!tpu.dma_semaphore, #tpu.memory_space<semaphore_mem>>) attributes {dimension_semantics = [#tpu.dimension_semantics<core_parallel>, #tpu.dimension_semantics<subcore_parallel>], iteration_bounds = array<i64: 2, 16>, scalar_prefetch = 0 : i64, scratch_operands = 5 : i64, tpu.core_type = #tpu.core_type<sc_vector_subcore>, window_params = [{transform_indices = #map}, {transform_indices = #map1}, {transform_indices = #map}]} {
    %mul3A = arith.constant 2 : i32
    %mul3A_0 = arith.muli %arg1, %mul3A : i32
    %add3A = arith.addi %mul3A_0, %arg0 : i32
    %mul3A_1 = arith.constant 13 : i32
    %mul3A_2 = arith.muli %add3A, %mul3A_1 : i32
    %scan3A = arith.constant -1 : i32
    %scan3A_3 = arith.constant 0 : i32
    %scan3A_4 = arith.constant 13 : i32
    %scan3A_5 = arith.addi %scan3A_3, %scan3A_4 : i32
    %scan3A_6 = arith.constant 1 : i32
    %scan3A_7 = scf.for %scan3A_22 = %scan3A_3 to %scan3A_5 step %scan3A_6 iter_args(%scan3A_23 = %scan3A) -> (i32)  : i32 {
      %add3A_24 = arith.addi %mul3A_2, %scan3A_22 : i32
      %shift_right_logical3A = arith.constant 4 : i32
      %shift_right_logical3A_25 = arith.shrui %add3A_24, %shift_right_logical3A : i32
      %and3A = arith.constant 15 : i32
      %and3A_26 = arith.andi %add3A_24, %and3A : i32
      "tpu.region"() ({
        %run_scoped3A = tpu.sem_alloc : memref<!tpu.dma_semaphore, #tpu.memory_space<semaphore_mem>>
        %dma_start3A_83 = arith.constant 0 : i32
        %dma_start3A_84 = tpu.memref_slice %arg3[%shift_right_logical3A_25, %and3A_26, %dma_start3A_83] : memref<26x16x100001xf32, #tpu.memory_space<hbm>> -> memref<1x1x100001xf32, #tpu.memory_space<hbm>>
        %dma_start3A_85 = tpu.memref_squeeze %dma_start3A_84 : memref<1x1x100001xf32, #tpu.memory_space<hbm>> -> memref<100001xf32, #tpu.memory_space<hbm>>
        %dma_start3A_86 = arith.constant 0 : i32
        %dma_start3A_87 = tpu.memref_slice %arg3[%shift_right_logical3A_25, %and3A_26, %dma_start3A_86] : memref<26x16x100001xf32, #tpu.memory_space<hbm>> -> memref<1x1x100001xf32, #tpu.memory_space<hbm>>
        %dma_start3A_88 = tpu.memref_squeeze %dma_start3A_87 : memref<1x1x100001xf32, #tpu.memory_space<hbm>> -> memref<100001xf32, #tpu.memory_space<hbm>>
        tpu.enqueue_dma source(%dma_start3A_88 : memref<100001xf32, #tpu.memory_space<hbm>>) target(%arg5 : memref<100001xf32, #tpu.memory_space<vmem>>) target_semaphore(%run_scoped3A : memref<!tpu.dma_semaphore, #tpu.memory_space<semaphore_mem>>)
        %dma_wait3A_89 = arith.constant 0 : i32
        %dma_wait3A_90 = tpu.memref_slice %arg3[%shift_right_logical3A_25, %and3A_26, %dma_wait3A_89] : memref<26x16x100001xf32, #tpu.memory_space<hbm>> -> memref<1x1x100001xf32, #tpu.memory_space<hbm>>
        %dma_wait3A_91 = tpu.memref_squeeze %dma_wait3A_90 : memref<1x1x100001xf32, #tpu.memory_space<hbm>> -> memref<100001xf32, #tpu.memory_space<hbm>>
        %dma_wait3A_92 = arith.constant 0 : i32
        %dma_wait3A_93 = tpu.memref_slice %arg3[%shift_right_logical3A_25, %and3A_26, %dma_wait3A_92] : memref<26x16x100001xf32, #tpu.memory_space<hbm>> -> memref<1x1x100001xf32, #tpu.memory_space<hbm>>
        %dma_wait3A_94 = tpu.memref_squeeze %dma_wait3A_93 : memref<1x1x100001xf32, #tpu.memory_space<hbm>> -> memref<100001xf32, #tpu.memory_space<hbm>>
        tpu.wait_dma2 semaphore(%run_scoped3A : memref<!tpu.dma_semaphore, #tpu.memory_space<semaphore_mem>>) src(%dma_wait3A_94 : memref<100001xf32, #tpu.memory_space<hbm>>) dst(%arg5 : memref<100001xf32, #tpu.memory_space<vmem>>)
        tpu.yield
      }) : () -> ()
      %ne3A = arith.cmpi ne, %shift_right_logical3A_25, %scan3A_23 : i32
      %convert_element_type3A = arith.extui %ne3A : i1 to i32
      %cond3A = arith.constant 0 : i32
      %cond3A_27 = arith.cmpi ne, %convert_element_type3A, %cond3A : i32
      scf.if %cond3A_27 {
        "tpu.region"() ({
          %run_scoped3A = tpu.sem_alloc : memref<!tpu.dma_semaphore, #tpu.memory_space<semaphore_mem>>
          %dma_start3A_83 = arith.constant 0 : i32
          %dma_start3A_84 = tpu.memref_slice %arg2[%shift_right_logical3A_25, %dma_start3A_83] : memref<26x16384xi32, #tpu.memory_space<hbm>> -> memref<1x16384xi32, #tpu.memory_space<hbm>>
          %dma_start3A_85 = tpu.memref_squeeze %dma_start3A_84 : memref<1x16384xi32, #tpu.memory_space<hbm>> -> memref<16384xi32, #tpu.memory_space<hbm>>
          %dma_start3A_86 = arith.constant 0 : i32
          %dma_start3A_87 = tpu.memref_slice %arg2[%shift_right_logical3A_25, %dma_start3A_86] : memref<26x16384xi32, #tpu.memory_space<hbm>> -> memref<1x16384xi32, #tpu.memory_space<hbm>>
          %dma_start3A_88 = tpu.memref_squeeze %dma_start3A_87 : memref<1x16384xi32, #tpu.memory_space<hbm>> -> memref<16384xi32, #tpu.memory_space<hbm>>
          tpu.enqueue_dma source(%dma_start3A_88 : memref<16384xi32, #tpu.memory_space<hbm>>) target(%arg6 : memref<16384xi32, #tpu.memory_space<vmem>>) target_semaphore(%run_scoped3A : memref<!tpu.dma_semaphore, #tpu.memory_space<semaphore_mem>>)
          %dma_wait3A_89 = arith.constant 0 : i32
          %dma_wait3A_90 = tpu.memref_slice %arg2[%shift_right_logical3A_25, %dma_wait3A_89] : memref<26x16384xi32, #tpu.memory_space<hbm>> -> memref<1x16384xi32, #tpu.memory_space<hbm>>
          %dma_wait3A_91 = tpu.memref_squeeze %dma_wait3A_90 : memref<1x16384xi32, #tpu.memory_space<hbm>> -> memref<16384xi32, #tpu.memory_space<hbm>>
          %dma_wait3A_92 = arith.constant 0 : i32
          %dma_wait3A_93 = tpu.memref_slice %arg2[%shift_right_logical3A_25, %dma_wait3A_92] : memref<26x16384xi32, #tpu.memory_space<hbm>> -> memref<1x16384xi32, #tpu.memory_space<hbm>>
          %dma_wait3A_94 = tpu.memref_squeeze %dma_wait3A_93 : memref<1x16384xi32, #tpu.memory_space<hbm>> -> memref<16384xi32, #tpu.memory_space<hbm>>
          tpu.wait_dma2 semaphore(%run_scoped3A : memref<!tpu.dma_semaphore, #tpu.memory_space<semaphore_mem>>) src(%dma_wait3A_94 : memref<16384xi32, #tpu.memory_space<hbm>>) dst(%arg6 : memref<16384xi32, #tpu.memory_space<vmem>>)
          tpu.yield
        }) : () -> ()
      } else {
      }
      %gt3A = arith.constant 0 : i32
      %gt3A_28 = arith.cmpi sgt, %scan3A_22, %gt3A : i32
      %convert_element_type3A_29 = arith.extui %gt3A_28 : i1 to i32
      %cond3A_30 = arith.constant 0 : i32
      %cond3A_31 = arith.cmpi ne, %convert_element_type3A_29, %cond3A_30 : i32
      scf.if %cond3A_31 {
        %dma_wait3A_83 = arith.constant 0 : i32
        %dma_wait3A_84 = arith.constant 0 : i32
        %dma_wait3A_85 = tpu.memref_slice %arg4[%dma_wait3A_83, %dma_wait3A_84] : memref<416x16384xf32, #tpu.memory_space<hbm>> -> memref<1x4096xf32, #tpu.memory_space<hbm>>
        %dma_wait3A_86 = tpu.memref_squeeze %dma_wait3A_85 : memref<1x4096xf32, #tpu.memory_space<hbm>> -> memref<4096xf32, #tpu.memory_space<hbm>>
        %dma_wait3A_87 = arith.constant 0 : i32
        %dma_wait3A_88 = tpu.memref_slice %arg4[%dma_wait3A_83, %dma_wait3A_87] : memref<416x16384xf32, #tpu.memory_space<hbm>> -> memref<1x4096xf32, #tpu.memory_space<hbm>>
        %dma_wait3A_89 = tpu.memref_squeeze %dma_wait3A_88 : memref<1x4096xf32, #tpu.memory_space<hbm>> -> memref<4096xf32, #tpu.memory_space<hbm>>
        tpu.wait_dma2 semaphore(%arg9 : memref<!tpu.dma_semaphore, #tpu.memory_space<semaphore_mem>>) src(%dma_wait3A_89 : memref<4096xf32, #tpu.memory_space<hbm>>) dst(%arg7 : memref<4096xf32, #tpu.memory_space<vmem>>)
      } else {
      }
      %parallel_loop3A = arith.constant 0 : i32
      %parallel_loop3A_32 = arith.constant 256 : i32
      %parallel_loop3A_33 = arith.constant 1 : i32
      scf.for %parallel_loop3A_83 = %parallel_loop3A to %parallel_loop3A_32 step %parallel_loop3A_33  : i32 {
        %parallel_loop3A_84 = arith.constant 16 : i32
        %parallel_loop3A_85 = arith.muli %parallel_loop3A_83, %parallel_loop3A_84 : i32
        %parallel_loop3A_86 = arith.constant 0 : i32
        %parallel_loop3A_87 = arith.addi %parallel_loop3A_86, %parallel_loop3A_85 : i32
        %parallel_loop3A_88 = arith.index_cast %parallel_loop3A_87 : i32 to index
        %parallel_loop3A_89 = tpu.vector_load %arg6[%parallel_loop3A_88] {strides = array<i32>} : memref<16384xi32, #tpu.memory_space<vmem>>, vector<16xi32>,
        %parallel_loop3A_90 = tpu.vector_load_idx %arg5[%parallel_loop3A_89] : memref<100001xf32, #tpu.memory_space<vmem>>[vector<16xi32>], vector<16xf32>,
        %parallel_loop3A_91 = arith.constant 16 : i32
        %parallel_loop3A_92 = arith.muli %parallel_loop3A_83, %parallel_loop3A_91 : i32
        %parallel_loop3A_93 = arith.index_cast %parallel_loop3A_92 : i32 to index
        %parallel_loop3A_94 = tpu.vector_load %arg7[%parallel_loop3A_93] {strides = array<i32>} : memref<4096xf32, #tpu.memory_space<vmem>>, vector<16xf32>,
        tpu.vector_store %arg7[%parallel_loop3A_93], %parallel_loop3A_90 {strides = array<i32>} : memref<4096xf32, #tpu.memory_space<vmem>>, vector<16xf32>,
      } {sc.loop_unroll_factor = 8 : i64, sc.parallel_access}
      %dma_start3A = arith.constant 0 : i32
      %dma_start3A_34 = tpu.memref_slice %arg4[%add3A_24, %dma_start3A] : memref<416x16384xf32, #tpu.memory_space<hbm>> -> memref<1x4096xf32, #tpu.memory_space<hbm>>
      %dma_start3A_35 = tpu.memref_squeeze %dma_start3A_34 : memref<1x4096xf32, #tpu.memory_space<hbm>> -> memref<4096xf32, #tpu.memory_space<hbm>>
      %dma_start3A_36 = arith.constant 0 : i32
      %dma_start3A_37 = tpu.memref_slice %arg4[%add3A_24, %dma_start3A_36] : memref<416x16384xf32, #tpu.memory_space<hbm>> -> memref<1x4096xf32, #tpu.memory_space<hbm>>
      %dma_start3A_38 = tpu.memref_squeeze %dma_start3A_37 : memref<1x4096xf32, #tpu.memory_space<hbm>> -> memref<4096xf32, #tpu.memory_space<hbm>>
      tpu.enqueue_dma source(%arg7 : memref<4096xf32, #tpu.memory_space<vmem>>) target(%dma_start3A_38 : memref<4096xf32, #tpu.memory_space<hbm>>) target_semaphore(%arg9 : memref<!tpu.dma_semaphore, #tpu.memory_space<semaphore_mem>>)
      %gt3A_39 = arith.constant 0 : i32
      %gt3A_40 = arith.cmpi sgt, %scan3A_22, %gt3A_39 : i32
      %convert_element_type3A_41 = arith.extui %gt3A_40 : i1 to i32
      %cond3A_42 = arith.constant 0 : i32
      %cond3A_43 = arith.cmpi ne, %convert_element_type3A_41, %cond3A_42 : i32
      scf.if %cond3A_43 {
        %dma_wait3A_83 = arith.constant 0 : i32
        %dma_wait3A_84 = arith.constant 0 : i32
        %dma_wait3A_85 = tpu.memref_slice %arg4[%dma_wait3A_83, %dma_wait3A_84] : memref<416x16384xf32, #tpu.memory_space<hbm>> -> memref<1x4096xf32, #tpu.memory_space<hbm>>
        %dma_wait3A_86 = tpu.memref_squeeze %dma_wait3A_85 : memref<1x4096xf32, #tpu.memory_space<hbm>> -> memref<4096xf32, #tpu.memory_space<hbm>>
        %dma_wait3A_87 = arith.constant 0 : i32
        %dma_wait3A_88 = tpu.memref_slice %arg4[%dma_wait3A_83, %dma_wait3A_87] : memref<416x16384xf32, #tpu.memory_space<hbm>> -> memref<1x4096xf32, #tpu.memory_space<hbm>>
        %dma_wait3A_89 = tpu.memref_squeeze %dma_wait3A_88 : memref<1x4096xf32, #tpu.memory_space<hbm>> -> memref<4096xf32, #tpu.memory_space<hbm>>
        tpu.wait_dma2 semaphore(%arg9 : memref<!tpu.dma_semaphore, #tpu.memory_space<semaphore_mem>>) src(%dma_wait3A_89 : memref<4096xf32, #tpu.memory_space<hbm>>) dst(%arg7 : memref<4096xf32, #tpu.memory_space<vmem>>)
      } else {
      }
      %parallel_loop3A_44 = arith.constant 0 : i32
      %parallel_loop3A_45 = arith.constant 256 : i32
      %parallel_loop3A_46 = arith.constant 1 : i32
      scf.for %parallel_loop3A_83 = %parallel_loop3A_44 to %parallel_loop3A_45 step %parallel_loop3A_46  : i32 {
        %parallel_loop3A_84 = arith.constant 16 : i32
        %parallel_loop3A_85 = arith.muli %parallel_loop3A_83, %parallel_loop3A_84 : i32
        %parallel_loop3A_86 = arith.constant 4096 : i32
        %parallel_loop3A_87 = arith.addi %parallel_loop3A_86, %parallel_loop3A_85 : i32
        %parallel_loop3A_88 = arith.index_cast %parallel_loop3A_87 : i32 to index
        %parallel_loop3A_89 = tpu.vector_load %arg6[%parallel_loop3A_88] {strides = array<i32>} : memref<16384xi32, #tpu.memory_space<vmem>>, vector<16xi32>,
        %parallel_loop3A_90 = tpu.vector_load_idx %arg5[%parallel_loop3A_89] : memref<100001xf32, #tpu.memory_space<vmem>>[vector<16xi32>], vector<16xf32>,
        %parallel_loop3A_91 = arith.constant 16 : i32
        %parallel_loop3A_92 = arith.muli %parallel_loop3A_83, %parallel_loop3A_91 : i32
        %parallel_loop3A_93 = arith.index_cast %parallel_loop3A_92 : i32 to index
        %parallel_loop3A_94 = tpu.vector_load %arg8[%parallel_loop3A_93] {strides = array<i32>} : memref<4096xf32, #tpu.memory_space<vmem>>, vector<16xf32>,
        tpu.vector_store %arg8[%parallel_loop3A_93], %parallel_loop3A_90 {strides = array<i32>} : memref<4096xf32, #tpu.memory_space<vmem>>, vector<16xf32>,
      } {sc.loop_unroll_factor = 8 : i64, sc.parallel_access}
      %dma_start3A_47 = arith.constant 4096 : i32
      %dma_start3A_48 = tpu.memref_slice %arg4[%add3A_24, %dma_start3A_47] : memref<416x16384xf32, #tpu.memory_space<hbm>> -> memref<1x4096xf32, #tpu.memory_space<hbm>>
      %dma_start3A_49 = tpu.memref_squeeze %dma_start3A_48 : memref<1x4096xf32, #tpu.memory_space<hbm>> -> memref<4096xf32, #tpu.memory_space<hbm>>
      %dma_start3A_50 = arith.constant 4096 : i32
      %dma_start3A_51 = tpu.memref_slice %arg4[%add3A_24, %dma_start3A_50] : memref<416x16384xf32, #tpu.memory_space<hbm>> -> memref<1x4096xf32, #tpu.memory_space<hbm>>
      %dma_start3A_52 = tpu.memref_squeeze %dma_start3A_51 : memref<1x4096xf32, #tpu.memory_space<hbm>> -> memref<4096xf32, #tpu.memory_space<hbm>>
      tpu.enqueue_dma source(%arg8 : memref<4096xf32, #tpu.memory_space<vmem>>) target(%dma_start3A_52 : memref<4096xf32, #tpu.memory_space<hbm>>) target_semaphore(%arg9 : memref<!tpu.dma_semaphore, #tpu.memory_space<semaphore_mem>>)
      %dma_wait3A_53 = arith.constant 0 : i32
      %dma_wait3A_54 = tpu.memref_slice %arg4[%add3A_24, %dma_wait3A_53] : memref<416x16384xf32, #tpu.memory_space<hbm>> -> memref<1x4096xf32, #tpu.memory_space<hbm>>
      %dma_wait3A_55 = tpu.memref_squeeze %dma_wait3A_54 : memref<1x4096xf32, #tpu.memory_space<hbm>> -> memref<4096xf32, #tpu.memory_space<hbm>>
      %dma_wait3A_56 = arith.constant 0 : i32
      %dma_wait3A_57 = tpu.memref_slice %arg4[%add3A_24, %dma_wait3A_56] : memref<416x16384xf32, #tpu.memory_space<hbm>> -> memref<1x4096xf32, #tpu.memory_space<hbm>>
      %dma_wait3A_58 = tpu.memref_squeeze %dma_wait3A_57 : memref<1x4096xf32, #tpu.memory_space<hbm>> -> memref<4096xf32, #tpu.memory_space<hbm>>
      tpu.wait_dma2 semaphore(%arg9 : memref<!tpu.dma_semaphore, #tpu.memory_space<semaphore_mem>>) src(%arg7 : memref<4096xf32, #tpu.memory_space<vmem>>) dst(%dma_wait3A_58 : memref<4096xf32, #tpu.memory_space<hbm>>)
      %parallel_loop3A_59 = arith.constant 0 : i32
      %parallel_loop3A_60 = arith.constant 256 : i32
      %parallel_loop3A_61 = arith.constant 1 : i32
      scf.for %parallel_loop3A_83 = %parallel_loop3A_59 to %parallel_loop3A_60 step %parallel_loop3A_61  : i32 {
        %parallel_loop3A_84 = arith.constant 16 : i32
        %parallel_loop3A_85 = arith.muli %parallel_loop3A_83, %parallel_loop3A_84 : i32
        %parallel_loop3A_86 = arith.constant 8192 : i32
        %parallel_loop3A_87 = arith.addi %parallel_loop3A_86, %parallel_loop3A_85 : i32
        %parallel_loop3A_88 = arith.index_cast %parallel_loop3A_87 : i32 to index
        %parallel_loop3A_89 = tpu.vector_load %arg6[%parallel_loop3A_88] {strides = array<i32>} : memref<16384xi32, #tpu.memory_space<vmem>>, vector<16xi32>,
        %parallel_loop3A_90 = tpu.vector_load_idx %arg5[%parallel_loop3A_89] : memref<100001xf32, #tpu.memory_space<vmem>>[vector<16xi32>], vector<16xf32>,
        %parallel_loop3A_91 = arith.constant 16 : i32
        %parallel_loop3A_92 = arith.muli %parallel_loop3A_83, %parallel_loop3A_91 : i32
        %parallel_loop3A_93 = arith.index_cast %parallel_loop3A_92 : i32 to index
        %parallel_loop3A_94 = tpu.vector_load %arg7[%parallel_loop3A_93] {strides = array<i32>} : memref<4096xf32, #tpu.memory_space<vmem>>, vector<16xf32>,
        tpu.vector_store %arg7[%parallel_loop3A_93], %parallel_loop3A_90 {strides = array<i32>} : memref<4096xf32, #tpu.memory_space<vmem>>, vector<16xf32>,
      } {sc.loop_unroll_factor = 8 : i64, sc.parallel_access}
      %dma_start3A_62 = arith.constant 8192 : i32
      %dma_start3A_63 = tpu.memref_slice %arg4[%add3A_24, %dma_start3A_62] : memref<416x16384xf32, #tpu.memory_space<hbm>> -> memref<1x4096xf32, #tpu.memory_space<hbm>>
      %dma_start3A_64 = tpu.memref_squeeze %dma_start3A_63 : memref<1x4096xf32, #tpu.memory_space<hbm>> -> memref<4096xf32, #tpu.memory_space<hbm>>
      %dma_start3A_65 = arith.constant 8192 : i32
      %dma_start3A_66 = tpu.memref_slice %arg4[%add3A_24, %dma_start3A_65] : memref<416x16384xf32, #tpu.memory_space<hbm>> -> memref<1x4096xf32, #tpu.memory_space<hbm>>
      %dma_start3A_67 = tpu.memref_squeeze %dma_start3A_66 : memref<1x4096xf32, #tpu.memory_space<hbm>> -> memref<4096xf32, #tpu.memory_space<hbm>>
      tpu.enqueue_dma source(%arg7 : memref<4096xf32, #tpu.memory_space<vmem>>) target(%dma_start3A_67 : memref<4096xf32, #tpu.memory_space<hbm>>) target_semaphore(%arg9 : memref<!tpu.dma_semaphore, #tpu.memory_space<semaphore_mem>>)
      %dma_wait3A_68 = arith.constant 4096 : i32
      %dma_wait3A_69 = tpu.memref_slice %arg4[%add3A_24, %dma_wait3A_68] : memref<416x16384xf32, #tpu.memory_space<hbm>> -> memref<1x4096xf32, #tpu.memory_space<hbm>>
      %dma_wait3A_70 = tpu.memref_squeeze %dma_wait3A_69 : memref<1x4096xf32, #tpu.memory_space<hbm>> -> memref<4096xf32, #tpu.memory_space<hbm>>
      %dma_wait3A_71 = arith.constant 4096 : i32
      %dma_wait3A_72 = tpu.memref_slice %arg4[%add3A_24, %dma_wait3A_71] : memref<416x16384xf32, #tpu.memory_space<hbm>> -> memref<1x4096xf32, #tpu.memory_space<hbm>>
      %dma_wait3A_73 = tpu.memref_squeeze %dma_wait3A_72 : memref<1x4096xf32, #tpu.memory_space<hbm>> -> memref<4096xf32, #tpu.memory_space<hbm>>
      tpu.wait_dma2 semaphore(%arg9 : memref<!tpu.dma_semaphore, #tpu.memory_space<semaphore_mem>>) src(%arg8 : memref<4096xf32, #tpu.memory_space<vmem>>) dst(%dma_wait3A_73 : memref<4096xf32, #tpu.memory_space<hbm>>)
      %parallel_loop3A_74 = arith.constant 0 : i32
      %parallel_loop3A_75 = arith.constant 256 : i32
      %parallel_loop3A_76 = arith.constant 1 : i32
      scf.for %parallel_loop3A_83 = %parallel_loop3A_74 to %parallel_loop3A_75 step %parallel_loop3A_76  : i32 {
        %parallel_loop3A_84 = arith.constant 16 : i32
        %parallel_loop3A_85 = arith.muli %parallel_loop3A_83, %parallel_loop3A_84 : i32
        %parallel_loop3A_86 = arith.constant 12288 : i32
        %parallel_loop3A_87 = arith.addi %parallel_loop3A_86, %parallel_loop3A_85 : i32
        %parallel_loop3A_88 = arith.index_cast %parallel_loop3A_87 : i32 to index
        %parallel_loop3A_89 = tpu.vector_load %arg6[%parallel_loop3A_88] {strides = array<i32>} : memref<16384xi32, #tpu.memory_space<vmem>>, vector<16xi32>,
        %parallel_loop3A_90 = tpu.vector_load_idx %arg5[%parallel_loop3A_89] : memref<100001xf32, #tpu.memory_space<vmem>>[vector<16xi32>], vector<16xf32>,
        %parallel_loop3A_91 = arith.constant 16 : i32
        %parallel_loop3A_92 = arith.muli %parallel_loop3A_83, %parallel_loop3A_91 : i32
        %parallel_loop3A_93 = arith.index_cast %parallel_loop3A_92 : i32 to index
        %parallel_loop3A_94 = tpu.vector_load %arg8[%parallel_loop3A_93] {strides = array<i32>} : memref<4096xf32, #tpu.memory_space<vmem>>, vector<16xf32>,
        tpu.vector_store %arg8[%parallel_loop3A_93], %parallel_loop3A_90 {strides = array<i32>} : memref<4096xf32, #tpu.memory_space<vmem>>, vector<16xf32>,
      } {sc.loop_unroll_factor = 8 : i64, sc.parallel_access}
      %dma_start3A_77 = arith.constant 12288 : i32
      %dma_start3A_78 = tpu.memref_slice %arg4[%add3A_24, %dma_start3A_77] : memref<416x16384xf32, #tpu.memory_space<hbm>> -> memref<1x4096xf32, #tpu.memory_space<hbm>>
      %dma_start3A_79 = tpu.memref_squeeze %dma_start3A_78 : memref<1x4096xf32, #tpu.memory_space<hbm>> -> memref<4096xf32, #tpu.memory_space<hbm>>
      %dma_start3A_80 = arith.constant 12288 : i32
      %dma_start3A_81 = tpu.memref_slice %arg4[%add3A_24, %dma_start3A_80] : memref<416x16384xf32, #tpu.memory_space<hbm>> -> memref<1x4096xf32, #tpu.memory_space<hbm>>
      %dma_start3A_82 = tpu.memref_squeeze %dma_start3A_81 : memref<1x4096xf32, #tpu.memory_space<hbm>> -> memref<4096xf32, #tpu.memory_space<hbm>>
      tpu.enqueue_dma source(%arg8 : memref<4096xf32, #tpu.memory_space<vmem>>) target(%dma_start3A_82 : memref<4096xf32, #tpu.memory_space<hbm>>) target_semaphore(%arg9 : memref<!tpu.dma_semaphore, #tpu.memory_space<semaphore_mem>>)
      scf.yield %shift_right_logical3A_25 : i32
    }
    %scan3A_8 = arith.constant 13 : i32
    %dma_wait3A = arith.constant 0 : i32
    %dma_wait3A_9 = arith.constant 0 : i32
    %dma_wait3A_10 = tpu.memref_slice %arg4[%dma_wait3A, %dma_wait3A_9] : memref<416x16384xf32, #tpu.memory_space<hbm>> -> memref<1x4096xf32, #tpu.memory_space<hbm>>
    %dma_wait3A_11 = tpu.memref_squeeze %dma_wait3A_10 : memref<1x4096xf32, #tpu.memory_space<hbm>> -> memref<4096xf32, #tpu.memory_space<hbm>>
    %dma_wait3A_12 = arith.constant 0 : i32
    %dma_wait3A_13 = tpu.memref_slice %arg4[%dma_wait3A, %dma_wait3A_12] : memref<416x16384xf32, #tpu.memory_space<hbm>> -> memref<1x4096xf32, #tpu.memory_space<hbm>>
    %dma_wait3A_14 = tpu.memref_squeeze %dma_wait3A_13 : memref<1x4096xf32, #tpu.memory_space<hbm>> -> memref<4096xf32, #tpu.memory_space<hbm>>
    tpu.wait_dma2 semaphore(%arg9 : memref<!tpu.dma_semaphore, #tpu.memory_space<semaphore_mem>>) src(%dma_wait3A_14 : memref<4096xf32, #tpu.memory_space<hbm>>) dst(%arg7 : memref<4096xf32, #tpu.memory_space<vmem>>)
    %dma_wait3A_15 = arith.constant 0 : i32
    %dma_wait3A_16 = arith.constant 0 : i32
    %dma_wait3A_17 = tpu.memref_slice %arg4[%dma_wait3A_15, %dma_wait3A_16] : memref<416x16384xf32, #tpu.memory_space<hbm>> -> memref<1x4096xf32, #tpu.memory_space<hbm>>
    %dma_wait3A_18 = tpu.memref_squeeze %dma_wait3A_17 : memref<1x4096xf32, #tpu.memory_space<hbm>> -> memref<4096xf32, #tpu.memory_space<hbm>>
    %dma_wait3A_19 = arith.constant 0 : i32
    %dma_wait3A_20 = tpu.memref_slice %arg4[%dma_wait3A_15, %dma_wait3A_19] : memref<416x16384xf32, #tpu.memory_space<hbm>> -> memref<1x4096xf32, #tpu.memory_space<hbm>>
    %dma_wait3A_21 = tpu.memref_squeeze %dma_wait3A_20 : memref<1x4096xf32, #tpu.memory_space<hbm>> -> memref<4096xf32, #tpu.memory_space<hbm>>
    tpu.wait_dma2 semaphore(%arg9 : memref<!tpu.dma_semaphore, #tpu.memory_space<semaphore_mem>>) src(%dma_wait3A_21 : memref<4096xf32, #tpu.memory_space<hbm>>) dst(%arg7 : memref<4096xf32, #tpu.memory_space<vmem>>)
    return
  }
}

</mosaic_0001>

<sc_bundles>
// kernel: kernel.3.cloned.1.call-start
scs
__scs_entry_jumppad:
0x0: {  	(pc) =	sbr.rel $0x88, $3  }
0x1: {  	(tag) =	ssettag $0x0;
	lr =	simm.s32 $0x1  }
0x2: {  	[smem:$0x3F9F] =	sst lr;
	_ =	strace $0xD0000000  }
0x3: {  	_ = 	snop  }
0x4: {  	_ = 	snop  }
0x5: {  	_ = 	snop  }
0x6: {  	_ = 	snop  }
0x7: {  	_ = 	snop  }
__scs_overlays_trampoline_lowered:
0x8: {  	[smem:$0x3FAE] =	sst s0  }
0x9: {  	[smem:$0x3FAF] =	sst s1  }
0xa: {  	[smem:$0x3FB0] =	sst s2  }
0xb: {  	[smem:$0x3FB1] =	sst s3  }
0xc: {  	[smem:$0x3FB2] =	sst s4  }
0xd: {  	[smem:$0x3FB3] =	sst s5  }
0xe: {  	[smem:$0x3FB4] =	sst s6  }
0xf: {  	[smem:$0x3FB5] =	sst s7  }
0x10: {  	[smem:$0x3FB6] =	sst s8  }
0x11: {  	[smem:$0x3FB7] =	sst s9;
	s0 =	simm.s32 @!p0 $0x0  }
0x12: {  	s1 =	sld [smem:$0x3F9D];
	s0 =	simm.s32 @p0 $0x1  }
0x13: {  	[smem:$0x3FB8] =	sst s0;
	s0 =	simm.s32 @!p1 $0x0  }
0x14: {  	s2 =	sld [smem:$0x3F9C];
	s0 =	simm.s32 @p1 $0x1  }
0x15: {  	[smem:$0x3FB9] =	sst s0;
	s0 =	simm.s32 @!p2 $0x0  }
0x16: {  	s3 =	sld [smem:$0x3FDB];
	s0 =	simm.s32 @p2 $0x1  }
0x17: {  	s4 =	simm.s32 $0x1BF5;
	[smem:$0x3FBB] =	sst s0  }
0x18: {  	s0 =	sld [smem:$0x3F9E];
	_ =	swait.ge [sflag:s4], $0x0  }
0x19: {  	s7 =	sld [smem:$0x3F9F]  }
0x1a: {  	s8 =	sadd.s32 $0xFFFFE003, lr  }
0x1b: {  	s9 =	sadd.s32 $0xFFFFFEF7, lr;
	s5 =	simm.s32 $0xFFFFFFFF;
	p2 =	slt.u32 s8, $0xFFFFF086  }
0x1c: {  	p1 =	slt.u32 s9, $0xF7A;
	s5 =	simm.s32 @!p2 $0x0  }
0x1d: {  	s5 =	simm.s32 @p1 $0x1;
	p0 =	seq.s32 s7, s2  }
0x1e: {  	s7 =	smul.u32 @!p0 $0xF7A, s2;
	p2 =	seq.s32 @!p0 s5, $0x0  }
0x1f: {  	s9 =	smul.u32 $0xF7A, s1;
	s8 =	simm.s32 @!p0 $0x1BF5;
	p2 =	por !p2, p0  }
0x20: {  	[sflag:s8] =	ssyncset.s32 @!p0 $0xFFFFF086;
	s6 =	sadd.s32 @!p0 s3, s7;
	s7 =	simm.s32 @!p0 $0x108  }
0x21: {  	s3 =	sadd.s32 s3, s9;
	s6 =	sadd.s32 @!p0 $0x88, s6;
	s7 =	simm.s32 @p2 $0x1082  }
0x22: {  	[simem:s7], [sflag:s8] =	dma.local @!p0 [hbm:s6], $0xF7A  }
0x23: {  	s9 =	sor.u32 $0xD0000000, s2;
	s6 =	simm.s32 $0x108;
	_ =	swait.ge @!p0 [sflag:s8], $0x0  }
0x24: {  	s3 =	sadd.s32 $0x88, s3;
	s6 =	simm.s32 @!p1 $0x1082;
	[sflag:s4] =	ssyncset.s32 $0xFFFFF086  }
0x25: {  	[simem:s6], [sflag:s4] =	dma.local [hbm:s3], $0xF7A  }
0x26: {  	[smem:$0x3F9F] =	sst s1;
	(tag) =	ssettag s2;
	_ =	strace s9  }
0x27: {  	s1 =	sld [smem:$0x3FAF]  }
0x28: {  	s2 =	sld [smem:$0x3FB0]  }
0x29: {  	s4 =	sld [smem:$0x3FB2]  }
0x2a: {  	p0 =	seq.s32 s5, $0x0;
	s5 =	sld [smem:$0x3FB3]  }
0x2b: {  	s6 =	sld [smem:$0x3FB4]  }
0x2c: {  	s7 =	sld [smem:$0x3FB5]  }
0x2d: {  	s3 =	simm.s32 $0x108;
	s8 =	sld [smem:$0x3FB6]  }
0x2e: {  	s3 =	simm.s32 @!p0 $0x1082;
	s9 =	sld [smem:$0x3FB7]  }
0x2f: {  	lr =	sadd.s32 s0, s3;
	s0 =	sld [smem:$0x3FAE]  }
0x30: {  	s3 =	sld [smem:$0x3FB1]  }
0x31: {  	[smem:$0x3FBA] =	sst s10  }
0x32: {  	s10 =	sld [smem:$0x3FB8];
	_ =	sdelay $0x3  }
0x33: {  	p0 =	seq.s32 s10, $0x1;
	s10 =	sld [smem:$0x3FBA];
	_ =	sdelay $0x3  }
0x34: {  	[smem:$0x3FBA] =	sst s10  }
0x35: {  	s10 =	sld [smem:$0x3FB9];
	_ =	sdelay $0x3  }
0x36: {  	p1 =	seq.s32 s10, $0x1;
	s10 =	sld [smem:$0x3FBA];
	_ =	sdelay $0x3  }
0x37: {  	[smem:$0x3FBA] =	sst s10  }
0x38: {  	s10 =	sld [smem:$0x3FBB]  }
0x39: {  	_ = 	snop;
	(pc) =	sbr.ind lr, $3  }
0x3a: {  	_ = 	snop  }
0x3b: {  	_ = 	snop  }
0x3c: {  	p2 =	seq.s32 s10, $0x1;
	s10 =	sld [smem:$0x3FBA]  }
0x3d: {  	_ =	shalt  }
0x3e: {  	_ =	shalt  }
0x3f: {  	_ =	shalt  }
0x40: {  	_ =	shalt  }
0x41: {  	_ =	shalt  }
0x42: {  	_ =	shalt  }
0x43: {  	_ =	shalt  }
0x44: {  	_ =	shalt  }
0x45: {  	_ =	shalt  }
0x46: {  	_ =	shalt  }
0x47: {  	_ =	shalt  }
0x48: {  	_ =	shalt  }
0x49: {  	_ =	shalt  }
0x4a: {  	_ =	shalt  }
0x4b: {  	_ =	shalt  }
0x4c: {  	_ =	shalt  }
0x4d: {  	_ =	shalt  }
0x4e: {  	_ =	shalt  }
0x4f: {  	_ =	shalt  }
0x50: {  	_ =	shalt  }
0x51: {  	_ =	shalt  }
0x52: {  	_ =	shalt  }
0x53: {  	_ =	shalt  }
0x54: {  	_ =	shalt  }
0x55: {  	_ =	shalt  }
0x56: {  	_ =	shalt  }
0x57: {  	_ =	shalt  }
0x58: {  	_ =	shalt  }
0x59: {  	_ =	shalt  }
0x5a: {  	_ =	shalt  }
0x5b: {  	_ =	shalt  }
0x5c: {  	_ =	shalt  }
0x5d: {  	_ =	shalt  }
0x5e: {  	_ =	shalt  }
0x5f: {  	_ =	shalt  }
0x60: {  	_ =	shalt  }
0x61: {  	_ =	shalt  }
0x62: {  	_ =	shalt  }
0x63: {  	_ =	shalt  }
0x64: {  	_ =	shalt  }
0x65: {  	_ =	shalt  }
0x66: {  	_ =	shalt  }
0x67: {  	_ =	shalt  }
0x68: {  	_ =	shalt  }
0x69: {  	_ =	shalt  }
0x6a: {  	_ =	shalt  }
0x6b: {  	_ =	shalt  }
0x6c: {  	_ =	shalt  }
0x6d: {  	_ =	shalt  }
0x6e: {  	_ =	shalt  }
0x6f: {  	_ =	shalt  }
0x70: {  	_ =	shalt  }
0x71: {  	_ =	shalt  }
0x72: {  	_ =	shalt  }
0x73: {  	_ =	shalt  }
0x74: {  	_ =	shalt  }
0x75: {  	_ =	shalt  }
0x76: {  	_ =	shalt  }
0x77: {  	_ =	shalt  }
0x78: {  	_ =	shalt  }
0x79: {  	_ =	shalt  }
0x7a: {  	_ =	shalt  }
0x7b: {  	_ =	shalt  }
0x7c: {  	_ =	shalt  }
0x7d: {  	_ =	shalt  }
0x7e: {  	_ =	shalt  }
0x7f: {  	_ =	shalt  }
0x80: {  	_ =	shalt  }
0x81: {  	_ =	shalt  }
0x82: {  	_ =	shalt  }
0x83: {  	_ =	shalt  }
0x84: {  	_ =	shalt  }
0x85: {  	_ =	shalt  }
0x86: {  	_ =	shalt  }
0x87: {  	_ =	shalt  }
.Lfunc_end0:
.L_simem_size_0:
called_computation_lowered:
.L_overlay_start_0:
0x88: {  	s2 =	sld [smem:$0x3FD9]  }
0x89: {  	s3 =	sld [smem:$0x3FFE];
	_ =	sdelay $0x1  }
0x8a: {  	s1 =	srdreg.scid  }
0x8b: {  	s0 =	sand.u32 $0x1, s1  }
0x8c: {  	s18 =	sshll.u32 s0, $0xA;
	s2 =	sadd.s32 s3, s2  }
0x8d: {  	s2 =	sadd.s32 s2, s18  }
0x8e: {  	[smem:$0x3FC6] =	sst s2  }
0x8f: {  	_ = 	snop  }
0x90: {  	s2 =	sld [smem:$0x3FC9]  }
0x91: {  	s19 =	sld [smem:$0x3FC8]  }
0x92: {  	s4 =	sld [smem:$0x3FD0];
	(tm) =	ssettm $0x1  }
0x93: {  	s5 =	sld [smem:$0x3FFB];
	_ =	sdelay $0x3  }
0x94: {  	_ =	strace s5  }
0x95: {  	s5 =	sld [smem:$0x3FFC];
	_ =	sdelay $0x3  }
0x96: {  	_ =	strace s5  }
0x97: {  	s5 =	sld [smem:$0x3FFD];
	_ =	sdelay $0x3  }
0x98: {  	_ =	strace s5  }
0x99: {  	_ =	strace $0x8FFFFFFF  }
0x9a: {  	s20 =	sld [smem:$0x3FDB];
	_ =	sdelay $0x1  }
0x9b: {  	s6 =	simm.s32 $_scs_section_size  }
0x9c: {  	s7 =	simm.s32 $_size__tile_overlayer_lowered;
	s8 =	simm.s32 $_tile_overlayer_lowered  }
0x9d: {  	s23 =	simm.s32 $0x1BFF;
	s22 =	sshll.u32 s8, $0x1;
	s5 =	sadd.s32 s6, s20  }
0x9e: {  	s9 =	simm.s32 $0x0;
	s21 =	sshll.u32 s7, $0x1;
	s7 =	sadd.s32 s22, s5  }
0x9f: {  	[timem:s9], [sflag:s23] =	dma.local [hbm:s7], s21  }
0xa0: {  	_ =	swait.ge [sflag:s23], s21  }
0xa1: {  	s6 =	ssub.s32 $0x0, s21;
	[sflag:s23] =	ssyncset.done $0x0  }
0xa2: {  	[sflag:s23] =	ssyncadd.s32 s6;
	_ =	sdelay $0x1  }
0xa3: {  	s24 =	simm.s32 $0x1B8B  }
0xa4: {  	_ =	swait.ge [sflag:s24], $0x1  }
0xa5: {  	[sflag:s24] =	ssyncset.done $0x0  }
0xa6: {  	s25 =	simm.s32 $0x1B8E;
	[sflag:s24] =	ssyncadd.s32 $0xFFFFFFFF  }
0xa7: {  	s26 =	simm.s32 $execute0_lowered;
	[smem:$0x3FD2] =	sst s25  }
0xa8: {  	s6 =	sshll.u32 s26, $0x1;
	_ =	strace $0x80000046;
	[dreg:$0x1] =	wrdreg $0xFFFFFFFF  }
0xa9: {  	s28 =	simm.s32 $_size_execute0_lowered;
	s5 =	sadd.s32 s5, s6;
	[dreg:$0x0] =	wrdreg $0x0  }
0xaa: {  	s6 =	sshll.u32 s28, $0x1;
	[dreg:$0x2] =	wrdreg s5  }
0xab: {  	[dreg:$0x3] =	wrdreg s6  }
0xac: {  	[dreg:$0x4] =	wrdreg $0xC0  }
0xad: {  	_ =	task [dreg:s9], $0x5FFFF  }
0xae: {  	[dreg:$0x1] =	wrdreg $0xFFFFFFFF  }
0xaf: {  	[dreg:$0x0] =	wrdreg $0x60  }
0xb0: {  	[dreg:$0x2] =	wrdreg s2  }
0xb1: {  	[dreg:$0x3] =	wrdreg s19  }
0xb2: {  	[dreg:$0x4] =	wrdreg s4  }
0xb3: {  	[dreg:$0x5] =	wrdreg $0x9  }
0xb4: {  	_ =	task.clear_ibuf [dreg:s9], $0x6FFFF;
	_ =	strace $0x90000046  }
0xb5: {  	s29 =	simm.s32 $0x9;
	_ =	strace $0x80000048  }
0xb6: {  	_ =	swait.ge [sflag:s29], $0x1  }
0xb7: {  	[sflag:s29] =	ssyncadd.s32 $0xFFFFFFFF  }
0xb8: {  	_ =	strace $0x90000048  }
0xb9: {  	_ =	sfence  }
0xba: {  	s30 =	sld [smem:$0x0];
	_ =	sdelay $0x2  }
0xbb: {  	s31 =	sshll.u32 s1, $0xD;
	s1 =	sshrl.u32 s1, $0x2  }
0xbc: {  	s3 =	sand.u32 $0x4000, s31;
	s1 =	sadd.s32 s1, s30  }
0xbd: {  	s0 =	sor.u32 s3, s0;
	s1 =	sshll.u32 s1, $0x11  }
0xbe: {  	s0 =	sor.u32 s1, s0  }
0xbf: {  	s0 =	sadd.s32 $0x8F2B, s0  }
0xc0: {  	[sflag:s0] =	ssyncadd.remote.s32 $0x1  }
0xc1: {  	_ =	sfence.sel $0xFFFF  }
0xc2: {  	[dreg:$0x0] =	wrdreg $0xFFFFFFFF;
	(pc) =	sbr.abs _section_cstart, $3  }
0xc3: {  	[dreg:$0x1] =	wrdreg $0xFFFFFFFF  }
0xc4: {  	_ =	task.clear_ibuf [dreg:s9], $0x2FFFF;
	_ =	strace $0x9FFFFFFF  }
0xc5: {  	(tm) =	ssettm $0x7FFFFFFF  }
tec
execute0_lowered:
.L_overlay_start_1:
0x0: {  	(tag) =	ssettag $0x1  }
0x1: {  	s1 =	rddreg [dreg:$0x0]  }
0x2: {  	s2 =	rddreg [dreg:$0x1]  }
0x3: {  	s3 =	rddreg [dreg:$0x2]  }
0x4: {  	s4 =	srdreg.scid;
	s0 =	rddreg [dreg:$0x3];
	s5 =	simm.s32 $0x0  }
0x5: {  	s11 =	simm.s32 $0x80;
	s12 =	simm.s32 $0x400;
	s13 =	simm.s32 $0x2  }
0x6: {  	s14 =	simm.s32 $0x1C700;
	s15 =	simm.s32 $0x1D700;
	s16 =	simm.s32 $0x1  }
0x7: {  	s17 =	simm.s32 $0x0;
	s6 =	sand.u32 $0x1, s4;
	s4 =	stileid.u32  }
0x8: {  	[smem:$0x7FF] =	sst s5;
	s7 =	ssub.s32 $0x2, s6;
	s9 =	sshll.u32 s4, $0x1  }
0x9: {  	_ =	strace $0x80000047;
	s8 =	sshrl.u32 s7, $0x1;
	s6 =	sor.u32 s6, s9  }
0xa: {  	s9 =	sadd.s32 $0x3000, s3;
	s10 =	ssub.s32 s7, s8;
	s6 =	smul.u32 $0xD, s6  }
0xb: {  	s7 =	sadd.s32 $0x1000, s3;
	s8 =	sadd.s32 $0x2000, s3;
	s10 =	smax.u32 s10, $0x1  }
.LBB2_1:
0xc: {  	s19 =	simm.s32 $0xFFFFFFFF;
	s18 =	simm.s32 $0x0  }
.LBB2_2:
0xd: {  	s20 =	sadd.s32 s6, s18  }
0xe: {  	s22 =	smov.u32 s19;
	s19 =	sshrl.u32 s20, $0x4;
	s21 =	sshll.u32 s20, $0x1C  }
0xf: {  	s23 =	smul.u32 $0x187000, s19;
	s21 =	sshra.s32 s21, $0x1F  }
0x10: {  	s24 =	sshll.u32 s20, $0x7;
	s21 =	sand.u32 $0xC3800, s21  }
0x11: {  	s23 =	sadd.s32 s23, s21;
	s21 =	sand.u32 $0x380, s24  }
0x12: {  	s23 =	sor.u32 s21, s23  }
0x13: {  	p1 =	seq.s32 s19, s22;
	s23 =	sshrl.u32 s23, $0x3  }
0x14: {  	s22 =	sand.u32 @!p1 $0x70, s20;
	s23 =	sadd.s32 s2, s23  }
0x15: {  	[tilespmem:s5], [sflag:$0x2] =	stream.strided.gather [hbm4b:s23+s11], $0x18700, s12, s11, $0x38;
	[tilespmem:$0x1E700] =	vst v63  }
0x16: {  	s25 =	simm.s32 @!p1 $0x18700;
	s22 =	sadd.s32 @!p1 s1, s22;
	_ =	swait.ge [sflag:s13], $0x18700  }
0x17: {  	s23 =	sand.u32 @!p1 $0xFFFC000, s24;
	s24 =	simm.s32 @!p1 $0x400;
	[sflag:s13] =	ssyncset.done $0x0  }
0x18: {  	s22 =	sadd.s32 @!p1 s23, s22;
	s23 =	simm.s32 @!p1 $0x80;
	[sflag:s13] =	ssyncadd.s32 $0xFFFE7900  }
0x19: {  	[tilespmem:s25], [sflag:$0x2] =	stream.strided.gather @!p1 [hbm4b:s22+s23], $0x4000, s24, s23, $0x38;
	[tilespmem:$0x1E700] =	vst v63  }
0x1a: {  	s22 =	simm.s32 @!p1 $0x2  }
0x1b: {  	_ =	swait.ge @!p1 [sflag:s22], $0x4000  }
0x1c: {  	p0 =	seq.s32 s18, $0x0;
	[sflag:s22] =	ssyncset.done @!p1 $0x0  }
0x1d: {  	[sflag:s22] =	ssyncadd.s32 @!p1 $0xFFFFC000;
	s22 =	simm.s32 @!p0 $0x1  }
0x1e: {  	_ =	swait.ge @!p0 [sflag:s22], $0x1000  }
0x1f: {  	[sflag:s22] =	ssyncset.done @!p0 $0x0  }
0x20: {  	s31 =	simm.s32 $0x18740;
	[sflag:s22] =	ssyncadd.s32 @!p0 $0xFFFFF000  }
0x21: {  	v0 =	vld [tilespmem:s31+$0x30]  }
0x22: {  	v1 =	vld [tilespmem:s31+$0xFFFFFFD0]  }
0x23: {  	v2 =	vld [tilespmem:s31+$0xFFFFFFE0]  }
0x24: {  	v3 =	vld [tilespmem:s31+$0xFFFFFFF0]  }
0x25: {  	v6 =	vld [tilespmem:s31+$0x0]  }
0x26: {  	v7 =	vld [tilespmem:s31+$0x10]  }
0x27: {  	v8 =	vld [tilespmem:s31+$0x20]  }
0x28: {  	v9 =	vld [tilespmem:s31+$0xFFFFFFC0]  }
0x29: {  	v10 =	vld.idx.msk [tilespmem:v0+s5+$0x0], $0xffff  }
0x2a: {  	v11 =	vld.idx.msk [tilespmem:v1+s5+$0x0], $0xffff  }
0x2b: {  	v5 =	vld.idx.msk [tilespmem:v2+s5+$0x0], $0xffff  }
0x2c: {  	v4 =	vld.idx.msk [tilespmem:v3+s5+$0x0], $0xffff  }
0x2d: {  	v3 =	vld.idx.msk [tilespmem:v6+s5+$0x0], $0xffff  }
0x2e: {  	s22 =	simm.s32 $0x1C740;
	v1 =	vld.idx.msk [tilespmem:v7+s5+$0x0], $0xffff  }
0x2f: {  	v0 =	vld.idx.msk [tilespmem:v8+s5+$0x0], $0xffff;
	[tilespmem:s22+$0x30] =	vst v10  }
0x30: {  	s23 =	simm.s32 $0x0;
	s24 =	simm.s32 $0x187C0;
	v2 =	vld.idx.msk [tilespmem:v9+s5+$0x0], $0xffff;
	[tilespmem:s22+$0xFFFFFFD0] =	vst v11  }
.LBB2_3:
0x31: {  	v6 =	vld [tilespmem:s24+$0x30];
	s23 =	sadd.s32 $0x8, s23;
	[tilespmem:s22+$0xFFFFFFE0] =	vst v5  }
0x32: {  	v5 =	vld [tilespmem:s24+$0xFFFFFFD0];
	p1 =	slt.u32 s23, $0xF8;
	[tilespmem:s22+$0xFFFFFFF0] =	vst v4  }
0x33: {  	v4 =	vld [tilespmem:s24+$0xFFFFFFE0];
	[tilespmem:s22+$0x0] =	vst v3  }
0x34: {  	v3 =	vld [tilespmem:s24+$0xFFFFFFF0];
	[tilespmem:s22+$0x10] =	vst v1  }
0x35: {  	v1 =	vld [tilespmem:s24+$0x0];
	[tilespmem:s22+$0x20] =	vst v0  }
0x36: {  	v0 =	vld [tilespmem:s24+$0x10];
	[tilespmem:s22+$0xFFFFFFC0] =	vst v2  }
0x37: {  	v2 =	vld [tilespmem:s24+$0x20]  }
0x38: {  	v7 =	vld [tilespmem:s24+$0xFFFFFFC0]  }
0x39: {  	v6 =	vld.idx.msk [tilespmem:v6+s5+$0x0], $0xffff  }
0x3a: {  	v8 =	vld.idx.msk [tilespmem:v5+s5+$0x0], $0xffff  }
0x3b: {  	v5 =	vld.idx.msk [tilespmem:v4+s5+$0x0], $0xffff  }
.Ltmp0:
0x3c: {  	v4 =	vld.idx.msk [tilespmem:v3+s5+$0x0], $0xffff;
	(pc) =	sbr.rel @p1 .LBB2_3-.Ltmp0, $4  }
0x3d: {  	v3 =	vld.idx.msk [tilespmem:v1+s5+$0x0], $0xffff  }
0x3e: {  	s22 =	sadd.s32 $0x80, s22;
	v1 =	vld.idx.msk [tilespmem:v0+s5+$0x0], $0xffff  }
0x3f: {  	v0 =	vld.idx.msk [tilespmem:v2+s5+$0x0], $0xffff;
	[tilespmem:s22+$0x30] =	vst v6  }
0x40: {  	s24 =	sadd.s32 $0x80, s24;
	v2 =	vld.idx.msk [tilespmem:v7+s5+$0x0], $0xffff;
	[tilespmem:s22+$0xFFFFFFD0] =	vst v8  }
0x41: {  	[tilespmem:s22+$0xFFFFFFE0] =	vst v5  }
0x42: {  	[tilespmem:s22+$0xFFFFFFF0] =	vst v4;
	s20 =	sshll.u32 s20, $0xE  }
0x43: {  	[tilespmem:s22+$0x0] =	vst v3;
	s20 =	sand.u32 $0x7FFE0000, s20  }
0x44: {  	[tilespmem:s22+$0x10] =	vst v1;
	s20 =	sor.u32 s21, s20  }
0x45: {  	[tilespmem:s22+$0x20] =	vst v0;
	s20 =	sshrl.u32 s20, $0x3  }
0x46: {  	s21 =	simm.s32 @!p0 $0x1;
	[tilespmem:s22+$0xFFFFFFC0] =	vst v2;
	s30 =	sadd.s32 s3, s20  }
0x47: {  	[hbm4b:s30+s11] =	stream.strided.scatter [tilespmem:s14], [sflag:$0x1], $0x1000, s12, s11, $0x38;
	[tilespmem:$0x1E700] =	vst v63  }
0x48: {  	_ =	swait.ge @!p0 [sflag:s21], $0x1000  }
0x49: {  	[sflag:s21] =	ssyncset.done @!p0 $0x0  }
0x4a: {  	s31 =	simm.s32 $0x19770;
	[sflag:s21] =	ssyncadd.s32 @!p0 $0xFFFFF000  }
0x4b: {  	v0 =	vld [tilespmem:s31+$0x0]  }
0x4c: {  	v1 =	vld [tilespmem:s31+$0xFFFFFFA0]  }
0x4d: {  	v2 =	vld [tilespmem:s31+$0xFFFFFFB0]  }
0x4e: {  	v3 =	vld [tilespmem:s31+$0xFFFFFFC0]  }
0x4f: {  	v4 =	vld [tilespmem:s31+$0xFFFFFFD0]  }
0x50: {  	v6 =	vld [tilespmem:s31+$0xFFFFFFE0]  }
0x51: {  	v7 =	vld [tilespmem:s31+$0xFFFFFFF0]  }
0x52: {  	v8 =	vld [tilespmem:s31+$0xFFFFFF90]  }
0x53: {  	v9 =	vld.idx.msk [tilespmem:v0+s5+$0x0], $0xffff  }
0x54: {  	v10 =	vld.idx.msk [tilespmem:v1+s5+$0x0], $0xffff  }
0x55: {  	v5 =	vld.idx.msk [tilespmem:v2+s5+$0x0], $0xffff  }
0x56: {  	v3 =	vld.idx.msk [tilespmem:v3+s5+$0x0], $0xffff  }
0x57: {  	v0 =	vld.idx.msk [tilespmem:v4+s5+$0x0], $0xffff  }
0x58: {  	s21 =	simm.s32 $0x1D740;
	v1 =	vld.idx.msk [tilespmem:v6+s5+$0x0], $0xffff  }
0x59: {  	v2 =	vld.idx.msk [tilespmem:v7+s5+$0x0], $0xffff;
	[tilespmem:s21+$0x30] =	vst v9  }
0x5a: {  	s23 =	simm.s32 $0x197F0;
	s22 =	simm.s32 $0x0;
	v4 =	vld.idx.msk [tilespmem:v8+s5+$0x0], $0xffff;
	[tilespmem:s21+$0xFFFFFFD0] =	vst v10  }
.LBB2_5:
0x5b: {  	v6 =	vld [tilespmem:s23+$0x0];
	s22 =	sadd.s32 $0x8, s22;
	[tilespmem:s21+$0xFFFFFFE0] =	vst v5  }
0x5c: {  	v5 =	vld [tilespmem:s23+$0xFFFFFFA0];
	p0 =	slt.u32 s22, $0xF8;
	[tilespmem:s21+$0xFFFFFFF0] =	vst v3  }
0x5d: {  	v3 =	vld [tilespmem:s23+$0xFFFFFFB0];
	[tilespmem:s21+$0x0] =	vst v0  }
0x5e: {  	v0 =	vld [tilespmem:s23+$0xFFFFFFC0];
	[tilespmem:s21+$0x10] =	vst v1  }
0x5f: {  	v1 =	vld [tilespmem:s23+$0xFFFFFFD0];
	[tilespmem:s21+$0x20] =	vst v2  }
0x60: {  	v2 =	vld [tilespmem:s23+$0xFFFFFFE0];
	[tilespmem:s21+$0xFFFFFFC0] =	vst v4  }
0x61: {  	v4 =	vld [tilespmem:s23+$0xFFFFFFF0]  }
0x62: {  	v7 =	vld [tilespmem:s23+$0xFFFFFF90]  }
0x63: {  	v6 =	vld.idx.msk [tilespmem:v6+s5+$0x0], $0xffff  }
0x64: {  	v8 =	vld.idx.msk [tilespmem:v5+s5+$0x0], $0xffff  }
0x65: {  	v5 =	vld.idx.msk [tilespmem:v3+s5+$0x0], $0xffff  }
.Ltmp1:
0x66: {  	v3 =	vld.idx.msk [tilespmem:v0+s5+$0x0], $0xffff;
	(pc) =	sbr.rel @p0 .LBB2_5-.Ltmp1, $4  }
0x67: {  	v0 =	vld.idx.msk [tilespmem:v1+s5+$0x0], $0xffff  }
0x68: {  	s21 =	sadd.s32 $0x80, s21;
	v1 =	vld.idx.msk [tilespmem:v2+s5+$0x0], $0xffff  }
0x69: {  	v2 =	vld.idx.msk [tilespmem:v4+s5+$0x0], $0xffff;
	[tilespmem:s21+$0x30] =	vst v6  }
0x6a: {  	s23 =	sadd.s32 $0x80, s23;
	v4 =	vld.idx.msk [tilespmem:v7+s5+$0x0], $0xffff;
	[tilespmem:s21+$0xFFFFFFD0] =	vst v8  }
0x6b: {  	[tilespmem:s21+$0xFFFFFFE0] =	vst v5  }
0x6c: {  	[tilespmem:s21+$0xFFFFFFF0] =	vst v3  }
0x6d: {  	[tilespmem:s21+$0x0] =	vst v0  }
0x6e: {  	[tilespmem:s21+$0x10] =	vst v1  }
0x6f: {  	[tilespmem:s21+$0x20] =	vst v2  }
0x70: {  	s30 =	sadd.s32 s20, s7;
	[tilespmem:s21+$0xFFFFFFC0] =	vst v4  }
0x71: {  	[hbm4b:s30+s11] =	stream.strided.scatter [tilespmem:s15], [sflag:$0x1], $0x1000, s12, s11, $0x38;
	[tilespmem:$0x1E700] =	vst v63  }
0x72: {  	_ =	swait.ge [sflag:s16], $0x1000  }
0x73: {  	[sflag:s16] =	ssyncset.done $0x0  }
0x74: {  	s31 =	simm.s32 $0x1A770;
	[sflag:s16] =	ssyncadd.s32 $0xFFFFF000  }
0x75: {  	v0 =	vld [tilespmem:s31+$0x0]  }
0x76: {  	v1 =	vld [tilespmem:s31+$0xFFFFFFA0]  }
0x77: {  	v2 =	vld [tilespmem:s31+$0xFFFFFFB0]  }
0x78: {  	v3 =	vld [tilespmem:s31+$0xFFFFFFC0]  }
0x79: {  	v4 =	vld [tilespmem:s31+$0xFFFFFFD0]  }
0x7a: {  	v6 =	vld [tilespmem:s31+$0xFFFFFFE0]  }
0x7b: {  	v7 =	vld [tilespmem:s31+$0xFFFFFFF0]  }
0x7c: {  	v8 =	vld [tilespmem:s31+$0xFFFFFF90]  }
0x7d: {  	v9 =	vld.idx.msk [tilespmem:v0+s5+$0x0], $0xffff  }
0x7e: {  	v10 =	vld.idx.msk [tilespmem:v1+s5+$0x0], $0xffff  }
0x7f: {  	v5 =	vld.idx.msk [tilespmem:v2+s5+$0x0], $0xffff  }
0x80: {  	v3 =	vld.idx.msk [tilespmem:v3+s5+$0x0], $0xffff  }
0x81: {  	v0 =	vld.idx.msk [tilespmem:v4+s5+$0x0], $0xffff  }
0x82: {  	s21 =	simm.s32 $0x1C740;
	v1 =	vld.idx.msk [tilespmem:v6+s5+$0x0], $0xffff  }
0x83: {  	v2 =	vld.idx.msk [tilespmem:v7+s5+$0x0], $0xffff;
	[tilespmem:s21+$0x30] =	vst v9  }
0x84: {  	s22 =	simm.s32 $0x0;
	s23 =	simm.s32 $0x1A7F0;
	v4 =	vld.idx.msk [tilespmem:v8+s5+$0x0], $0xffff;
	[tilespmem:s21+$0xFFFFFFD0] =	vst v10  }
.LBB2_7:
0x85: {  	v6 =	vld [tilespmem:s23+$0x0];
	s22 =	sadd.s32 $0x8, s22;
	[tilespmem:s21+$0xFFFFFFE0] =	vst v5  }
0x86: {  	v5 =	vld [tilespmem:s23+$0xFFFFFFA0];
	p0 =	slt.u32 s22, $0xF8;
	[tilespmem:s21+$0xFFFFFFF0] =	vst v3  }
0x87: {  	v3 =	vld [tilespmem:s23+$0xFFFFFFB0];
	[tilespmem:s21+$0x0] =	vst v0  }
0x88: {  	v0 =	vld [tilespmem:s23+$0xFFFFFFC0];
	[tilespmem:s21+$0x10] =	vst v1  }
0x89: {  	v1 =	vld [tilespmem:s23+$0xFFFFFFD0];
	[tilespmem:s21+$0x20] =	vst v2  }
0x8a: {  	v2 =	vld [tilespmem:s23+$0xFFFFFFE0];
	[tilespmem:s21+$0xFFFFFFC0] =	vst v4  }
0x8b: {  	v4 =	vld [tilespmem:s23+$0xFFFFFFF0]  }
0x8c: {  	v7 =	vld [tilespmem:s23+$0xFFFFFF90]  }
0x8d: {  	v6 =	vld.idx.msk [tilespmem:v6+s5+$0x0], $0xffff  }
0x8e: {  	v8 =	vld.idx.msk [tilespmem:v5+s5+$0x0], $0xffff  }
0x8f: {  	v5 =	vld.idx.msk [tilespmem:v3+s5+$0x0], $0xffff  }
.Ltmp2:
0x90: {  	v3 =	vld.idx.msk [tilespmem:v0+s5+$0x0], $0xffff;
	(pc) =	sbr.rel @p0 .LBB2_7-.Ltmp2, $4  }
0x91: {  	v0 =	vld.idx.msk [tilespmem:v1+s5+$0x0], $0xffff  }
0x92: {  	s21 =	sadd.s32 $0x80, s21;
	v1 =	vld.idx.msk [tilespmem:v2+s5+$0x0], $0xffff  }
0x93: {  	v2 =	vld.idx.msk [tilespmem:v4+s5+$0x0], $0xffff;
	[tilespmem:s21+$0x30] =	vst v6  }
0x94: {  	s23 =	sadd.s32 $0x80, s23;
	v4 =	vld.idx.msk [tilespmem:v7+s5+$0x0], $0xffff;
	[tilespmem:s21+$0xFFFFFFD0] =	vst v8  }
0x95: {  	[tilespmem:s21+$0xFFFFFFE0] =	vst v5  }
0x96: {  	[tilespmem:s21+$0xFFFFFFF0] =	vst v3  }
0x97: {  	[tilespmem:s21+$0x0] =	vst v0  }
0x98: {  	[tilespmem:s21+$0x10] =	vst v1  }
0x99: {  	[tilespmem:s21+$0x20] =	vst v2  }
0x9a: {  	s30 =	sadd.s32 s20, s8;
	[tilespmem:s21+$0xFFFFFFC0] =	vst v4  }
0x9b: {  	[hbm4b:s30+s11] =	stream.strided.scatter [tilespmem:s14], [sflag:$0x1], $0x1000, s12, s11, $0x38;
	[tilespmem:$0x1E700] =	vst v63  }
0x9c: {  	_ =	swait.ge [sflag:s16], $0x1000  }
0x9d: {  	[sflag:s16] =	ssyncset.done $0x0  }
0x9e: {  	s31 =	simm.s32 $0x1B770;
	[sflag:s16] =	ssyncadd.s32 $0xFFFFF000  }
0x9f: {  	v0 =	vld [tilespmem:s31+$0x0]  }
0xa0: {  	v1 =	vld [tilespmem:s31+$0xFFFFFFA0]  }
0xa1: {  	v2 =	vld [tilespmem:s31+$0xFFFFFFB0]  }
0xa2: {  	v3 =	vld [tilespmem:s31+$0xFFFFFFC0]  }
0xa3: {  	v4 =	vld [tilespmem:s31+$0xFFFFFFD0]  }
0xa4: {  	v6 =	vld [tilespmem:s31+$0xFFFFFFE0]  }
0xa5: {  	v7 =	vld [tilespmem:s31+$0xFFFFFFF0]  }
0xa6: {  	v8 =	vld [tilespmem:s31+$0xFFFFFF90]  }
0xa7: {  	v9 =	vld.idx.msk [tilespmem:v0+s5+$0x0], $0xffff  }
0xa8: {  	v10 =	vld.idx.msk [tilespmem:v1+s5+$0x0], $0xffff  }
0xa9: {  	v5 =	vld.idx.msk [tilespmem:v2+s5+$0x0], $0xffff  }
0xaa: {  	v3 =	vld.idx.msk [tilespmem:v3+s5+$0x0], $0xffff  }
0xab: {  	v0 =	vld.idx.msk [tilespmem:v4+s5+$0x0], $0xffff  }
0xac: {  	s21 =	simm.s32 $0x1D740;
	v1 =	vld.idx.msk [tilespmem:v6+s5+$0x0], $0xffff  }
0xad: {  	v2 =	vld.idx.msk [tilespmem:v7+s5+$0x0], $0xffff;
	[tilespmem:s21+$0x30] =	vst v9  }
0xae: {  	s22 =	simm.s32 $0x0;
	s23 =	simm.s32 $0x1B7F0;
	v4 =	vld.idx.msk [tilespmem:v8+s5+$0x0], $0xffff;
	[tilespmem:s21+$0xFFFFFFD0] =	vst v10  }
.LBB2_9:
0xaf: {  	v6 =	vld [tilespmem:s23+$0x0];
	s22 =	sadd.s32 $0x8, s22;
	[tilespmem:s21+$0xFFFFFFE0] =	vst v5  }
0xb0: {  	v5 =	vld [tilespmem:s23+$0xFFFFFFA0];
	p0 =	slt.u32 s22, $0xF8;
	[tilespmem:s21+$0xFFFFFFF0] =	vst v3  }
0xb1: {  	v3 =	vld [tilespmem:s23+$0xFFFFFFB0];
	[tilespmem:s21+$0x0] =	vst v0  }
0xb2: {  	v0 =	vld [tilespmem:s23+$0xFFFFFFC0];
	[tilespmem:s21+$0x10] =	vst v1  }
0xb3: {  	v1 =	vld [tilespmem:s23+$0xFFFFFFD0];
	[tilespmem:s21+$0x20] =	vst v2  }
0xb4: {  	v2 =	vld [tilespmem:s23+$0xFFFFFFE0];
	[tilespmem:s21+$0xFFFFFFC0] =	vst v4  }
0xb5: {  	v4 =	vld [tilespmem:s23+$0xFFFFFFF0]  }
0xb6: {  	v7 =	vld [tilespmem:s23+$0xFFFFFF90]  }
0xb7: {  	v6 =	vld.idx.msk [tilespmem:v6+s5+$0x0], $0xffff  }
0xb8: {  	v8 =	vld.idx.msk [tilespmem:v5+s5+$0x0], $0xffff  }
0xb9: {  	v5 =	vld.idx.msk [tilespmem:v3+s5+$0x0], $0xffff  }
.Ltmp3:
0xba: {  	v3 =	vld.idx.msk [tilespmem:v0+s5+$0x0], $0xffff;
	(pc) =	sbr.rel @p0 .LBB2_9-.Ltmp3, $4  }
0xbb: {  	v0 =	vld.idx.msk [tilespmem:v1+s5+$0x0], $0xffff  }
0xbc: {  	s21 =	sadd.s32 $0x80, s21;
	v1 =	vld.idx.msk [tilespmem:v2+s5+$0x0], $0xffff  }
0xbd: {  	v2 =	vld.idx.msk [tilespmem:v4+s5+$0x0], $0xffff;
	[tilespmem:s21+$0x30] =	vst v6  }
0xbe: {  	s23 =	sadd.s32 $0x80, s23;
	v4 =	vld.idx.msk [tilespmem:v7+s5+$0x0], $0xffff;
	[tilespmem:s21+$0xFFFFFFD0] =	vst v8  }
0xbf: {  	[tilespmem:s21+$0xFFFFFFE0] =	vst v5;
	s18 =	sadd.s32 $0x1, s18  }
0xc0: {  	[tilespmem:s21+$0xFFFFFFF0] =	vst v3;
	p0 =	sne.s32 s18, $0xD  }
.Ltmp4:
0xc1: {  	[tilespmem:s21+$0x0] =	vst v0;
	(pc) =	sbr.rel @p0 .LBB2_2-.Ltmp4, $4  }
0xc2: {  	[tilespmem:s21+$0x10] =	vst v1  }
0xc3: {  	[tilespmem:s21+$0x20] =	vst v2  }
0xc4: {  	s20 =	sadd.s32 s20, s9;
	[tilespmem:s21+$0xFFFFFFC0] =	vst v4  }
0xc5: {  	[hbm4b:s20+s11] =	stream.strided.scatter [tilespmem:s15], [sflag:$0x1], $0x1000, s12, s11, $0x38;
	[tilespmem:$0x1E700] =	vst v63  }
0xc6: {  	s17 =	sadd.s32 $0x1, s17  }
0xc7: {  	_ =	swait.ge [sflag:s16], $0x1000;
	p0 =	sne.s32 s17, s10  }
.Ltmp5:
0xc8: {  	[sflag:s16] =	ssyncset.done $0x0;
	(pc) =	sbr.rel @p0 .LBB2_1-.Ltmp5, $4  }
0xc9: {  	[sflag:s16] =	ssyncadd.s32 $0xFFFFF000  }
0xca: {  	_ =	swait.ge [sflag:s16], $0x1000  }
0xcb: {  	[sflag:s16] =	ssyncset.done $0x0  }
0xcc: {  	[sflag:s16] =	ssyncadd.s32 $0xFFFFF000  }
0xcd: {  	_ =	sfence.sel $0x180000  }
0xce: {  	[bflag:$0x0] =	sbarrier.arrive $0xFFFF  }
0xcf: {  	p0 =	sne.s32 s4, $0x0;
	_ =	strace $0x90000047  }
0xd0: {  	s0 =	sadd.s32 @!p0 $0x100000, s0;
	[bflag:$0x2] =	sbarrier.arrive $0xFFFF  }
0xd1: {  	[sflag:s0] =	ssyncadd.tile.s32 @!p0 $0x1;
	_ =	shalt  }
.Lfunc_end2:
_tile_overlayer_lowered:
.L_overlay_start_2:
0xd2: {  	(tag) =	ssettag $0x2  }
0xd3: {  	s0 =	rddreg [dreg:$0x0];
	s2 =	stileid.u32  }
0xd4: {  	s1 =	rddreg [dreg:$0x1];
	p0 =	sne.s32 s2, $0x0  }
0xd5: {  	s3 =	rddreg [dreg:$0x2];
	[bflag:$0x3] =	sbarrier.arrive $0xFFFF;
	s2 =	simm.s32 @!p0 $0x1C02  }
0xd6: {  	[timem:s3], [sflag:s2] =	dma.local @!p0 [hbm:s0], s1  }
0xd7: {  	s0 =	simm.s32 @!p0 $0x2  }
0xd8: {  	_ =	swait.ge @!p0 [sflag:s0], s1  }
0xd9: {  	s1 =	ssub.s32 @!p0 $0x0, s1;
	[sflag:s0] =	ssyncset.done @!p0 $0x0  }
0xda: {  	[sflag:s0] =	ssyncadd.s32 @!p0 s1  }
0xdb: {  	[bflag:$0x3] =	sbarrier.arrive $0xFFFF  }
0xdc: {  	_ =	shalt  }

</sc_bundles>
